<compile_context>
chip_gen: v7x
topology: tpu7x:2x2x1
jax: 0.10.2.dev20260603
libtpu: 0.0.44.dev20260713+nightly
codegen_flags: <defaults>
</compile_context>

<pallas_src>
import jax
import jax.numpy as jnp
import numpy as np
from jax import lax
from jax.experimental import pallas as pl
from jax.experimental.pallas import tpu as pltpu
from jax.experimental.pallas import tpu_sc as plsc

_D = 128
_OUT = 12

_O3, _O1, _O2 = 0, 12, 16


def _body(pack_hbm, tab_hbm, out_hbm, smem, sem):
    pltpu.sync_copy(pack_hbm, smem)
    descs = []
    for k in range(_OUT):
        i = k // 3
        j = k % 3
        idx = (smem[_O1 + i] * 4096 + smem[_O2 + j] * 64
               + smem[_O3 + k]).astype(jnp.int32)
        descs.append(pltpu.async_copy(
            tab_hbm.at[pl.ds(idx, 1)],
            out_hbm.at[np.int32(j), pl.ds(np.int32(i), 1)], sem))
    for d in descs:
        d.wait()


def _gather12(pack, tab):
    mesh = plsc.ScalarSubcoreMesh(axis_name="c", num_cores=1)
    f = pl.kernel(
        _body,
        mesh=mesh,
        out_type=jax.ShapeDtypeStruct((3, 4, _D), jnp.float32),
        scratch_types=[
            pltpu.SMEM((32,), jnp.uint32),
            pltpu.SemaphoreType.DMA,
        ],
        compiler_params=pltpu.CompilerParams(use_tc_tiling_on_sc=False),
    )
    return f(pack, tab)


def kernel(x, index1, index2, index3):
    tab = x.reshape(-1, _D)
    zpad = jnp.zeros((4,), index3.dtype)
    cat = jnp.concatenate([
        index3.reshape(-1), index1.reshape(-1), index2.reshape(-1),
        zpad, zpad, zpad, jnp.zeros((1,), index3.dtype),
    ])
    pack = cat.astype(jnp.uint32)
    out = _gather12(pack, tab)
    return out.transpose(1, 0, 2)

# --- scband reference (transcript-rebuilt; emitter-appended) ---
"""Pipeline reference for scband-index-tensor-hacked-twin-multi-input-non-contiguous-multiple-static-dims-86492051407099 (READ-ONLY COPY).

The authoritative reference and input builder live on the scoring server;
editing this copy changes nothing except your own understanding.
"""

import jax, jax.numpy as jnp
import numpy as np
jax.config.update("jax_enable_x64", True)


def setup_inputs(seed: int = 0) -> dict:
    key = jax.random.key(seed)
    k1, k2, k3, k4 = jax.random.split(key, 4)
    x = jax.random.normal(k1, (256, 64, 64, 128), dtype=jnp.float32)
    index1 = jax.random.randint(k2, (4, 1), 0, 256, dtype=jnp.int64)
    index2 = jax.random.randint(k3, (1, 3), 0, 64, dtype=jnp.int64)
    index3 = jax.random.randint(k4, (4, 3), 0, 64, dtype=jnp.int64)
    return {"x": x, "index1": index1, "index2": index2, "index3": index3}


def reference(x, index1, index2, index3):
    # torch.ops.aten.index(x, [index1, index2, index3]):
    # advanced indexing on the first 3 dims with broadcasting of the
    # index tensors ([4,1], [1,3], [4,3] -> [4,3]); last dim is kept.
    # Result shape: [4, 3, 128].
    return x[index1, index2, index3]

if __name__ == "__main__":
    import jax
    _d = setup_inputs()
    print(jax.jit(kernel)(*tuple(_d.values())))

</pallas_src>

<mosaic_0001>
#map = affine_map<(d0) -> (0)>
#map1 = affine_map<(d0) -> (0, 0)>
#map2 = affine_map<(d0) -> (0, 0, 0)>
module attributes {stable_mosaic.version = 14 : i64} {
  func.func @_body(%arg0: i32, %arg1: memref<32xi32, #tpu.memory_space<hbm>>, %arg2: memref<1048576x128xf32, #tpu.memory_space<hbm>>, %arg3: memref<3x4x128xf32, #tpu.memory_space<hbm>>, %arg4: memref<32xi32, #tpu.memory_space<smem>>, %arg5: memref<!tpu.dma_semaphore, #tpu.memory_space<semaphore_mem>>) attributes {dimension_semantics = [#tpu.dimension_semantics<core_parallel>], iteration_bounds = array<i64: 1>, scalar_prefetch = 0 : i64, scratch_operands = 2 : i64, tpu.core_type = #tpu.core_type<sc_scalar_subcore>, window_params = [{transform_indices = #map}, {transform_indices = #map1}, {transform_indices = #map2}]} {
    "tpu.region"() ({
      %run_scoped3A = tpu.sem_alloc : memref<!tpu.dma_semaphore, #tpu.memory_space<semaphore_mem>>
      tpu.enqueue_dma source(%arg1 : memref<32xi32, #tpu.memory_space<hbm>>) target(%arg4 : memref<32xi32, #tpu.memory_space<smem>>) target_semaphore(%run_scoped3A : memref<!tpu.dma_semaphore, #tpu.memory_space<semaphore_mem>>)
      tpu.wait_dma2 semaphore(%run_scoped3A : memref<!tpu.dma_semaphore, #tpu.memory_space<semaphore_mem>>) src(%arg1 : memref<32xi32, #tpu.memory_space<hbm>>) dst(%arg4 : memref<32xi32, #tpu.memory_space<smem>>)
      tpu.yield
    }) : () -> ()
    %get3A = arith.constant 12 : i64
    %get3A_0 = arith.index_cast %get3A : i64 to index
    %get3A_1 = memref.load %arg4[%get3A_0] : memref<32xi32, #tpu.memory_space<smem>>
    %mul3A = arith.constant 4096 : i32
    %mul3A_2 = arith.muli %get3A_1, %mul3A : i32
    %get3A_3 = arith.constant 16 : i64
    %get3A_4 = arith.index_cast %get3A_3 : i64 to index
    %get3A_5 = memref.load %arg4[%get3A_4] : memref<32xi32, #tpu.memory_space<smem>>
    %mul3A_6 = arith.constant 64 : i32
    %mul3A_7 = arith.muli %get3A_5, %mul3A_6 : i32
    %add3A = arith.addi %mul3A_2, %mul3A_7 : i32
    %get3A_8 = arith.constant 0 : i64
    %get3A_9 = arith.index_cast %get3A_8 : i64 to index
    %get3A_10 = memref.load %arg4[%get3A_9] : memref<32xi32, #tpu.memory_space<smem>>
    %add3A_11 = arith.addi %add3A, %get3A_10 : i32
    %dma_start3A = arith.constant 0 : i32
    %dma_start3A_12 = arith.constant 0 : i32
    %dma_start3A_13 = arith.constant 0 : i32
    %dma_start3A_14 = tpu.memref_slice %arg3[%dma_start3A, %dma_start3A_12, %dma_start3A_13] : memref<3x4x128xf32, #tpu.memory_space<hbm>> -> memref<1x1x128xf32, #tpu.memory_space<hbm>>
    %dma_start3A_15 = tpu.memref_squeeze %dma_start3A_14 : memref<1x1x128xf32, #tpu.memory_space<hbm>> -> memref<1x128xf32, #tpu.memory_space<hbm>>
    %dma_start3A_16 = arith.constant 0 : i32
    %dma_start3A_17 = tpu.memref_slice %arg2[%add3A_11, %dma_start3A_16] : memref<1048576x128xf32, #tpu.memory_space<hbm>> -> memref<1x128xf32, #tpu.memory_space<hbm>>
    tpu.enqueue_dma source(%dma_start3A_17 : memref<1x128xf32, #tpu.memory_space<hbm>>) target(%dma_start3A_15 : memref<1x128xf32, #tpu.memory_space<hbm>>) target_semaphore(%arg5 : memref<!tpu.dma_semaphore, #tpu.memory_space<semaphore_mem>>)
    %get3A_18 = arith.constant 12 : i64
    %get3A_19 = arith.index_cast %get3A_18 : i64 to index
    %get3A_20 = memref.load %arg4[%get3A_19] : memref<32xi32, #tpu.memory_space<smem>>
    %mul3A_21 = arith.constant 4096 : i32
    %mul3A_22 = arith.muli %get3A_20, %mul3A_21 : i32
    %get3A_23 = arith.constant 17 : i64
    %get3A_24 = arith.index_cast %get3A_23 : i64 to index
    %get3A_25 = memref.load %arg4[%get3A_24] : memref<32xi32, #tpu.memory_space<smem>>
    %mul3A_26 = arith.constant 64 : i32
    %mul3A_27 = arith.muli %get3A_25, %mul3A_26 : i32
    %add3A_28 = arith.addi %mul3A_22, %mul3A_27 : i32
    %get3A_29 = arith.constant 1 : i64
    %get3A_30 = arith.index_cast %get3A_29 : i64 to index
    %get3A_31 = memref.load %arg4[%get3A_30] : memref<32xi32, #tpu.memory_space<smem>>
    %add3A_32 = arith.addi %add3A_28, %get3A_31 : i32
    %dma_start3A_33 = arith.constant 1 : i32
    %dma_start3A_34 = arith.constant 0 : i32
    %dma_start3A_35 = arith.constant 0 : i32
    %dma_start3A_36 = tpu.memref_slice %arg3[%dma_start3A_33, %dma_start3A_34, %dma_start3A_35] : memref<3x4x128xf32, #tpu.memory_space<hbm>> -> memref<1x1x128xf32, #tpu.memory_space<hbm>>
    %dma_start3A_37 = tpu.memref_squeeze %dma_start3A_36 : memref<1x1x128xf32, #tpu.memory_space<hbm>> -> memref<1x128xf32, #tpu.memory_space<hbm>>
    %dma_start3A_38 = arith.constant 0 : i32
    %dma_start3A_39 = tpu.memref_slice %arg2[%add3A_32, %dma_start3A_38] : memref<1048576x128xf32, #tpu.memory_space<hbm>> -> memref<1x128xf32, #tpu.memory_space<hbm>>
    tpu.enqueue_dma source(%dma_start3A_39 : memref<1x128xf32, #tpu.memory_space<hbm>>) target(%dma_start3A_37 : memref<1x128xf32, #tpu.memory_space<hbm>>) target_semaphore(%arg5 : memref<!tpu.dma_semaphore, #tpu.memory_space<semaphore_mem>>)
    %get3A_40 = arith.constant 12 : i64
    %get3A_41 = arith.index_cast %get3A_40 : i64 to index
    %get3A_42 = memref.load %arg4[%get3A_41] : memref<32xi32, #tpu.memory_space<smem>>
    %mul3A_43 = arith.constant 4096 : i32
    %mul3A_44 = arith.muli %get3A_42, %mul3A_43 : i32
    %get3A_45 = arith.constant 18 : i64
    %get3A_46 = arith.index_cast %get3A_45 : i64 to index
    %get3A_47 = memref.load %arg4[%get3A_46] : memref<32xi32, #tpu.memory_space<smem>>
    %mul3A_48 = arith.constant 64 : i32
    %mul3A_49 = arith.muli %get3A_47, %mul3A_48 : i32
    %add3A_50 = arith.addi %mul3A_44, %mul3A_49 : i32
    %get3A_51 = arith.constant 2 : i64
    %get3A_52 = arith.index_cast %get3A_51 : i64 to index
    %get3A_53 = memref.load %arg4[%get3A_52] : memref<32xi32, #tpu.memory_space<smem>>
    %add3A_54 = arith.addi %add3A_50, %get3A_53 : i32
    %dma_start3A_55 = arith.constant 2 : i32
    %dma_start3A_56 = arith.constant 0 : i32
    %dma_start3A_57 = arith.constant 0 : i32
    %dma_start3A_58 = tpu.memref_slice %arg3[%dma_start3A_55, %dma_start3A_56, %dma_start3A_57] : memref<3x4x128xf32, #tpu.memory_space<hbm>> -> memref<1x1x128xf32, #tpu.memory_space<hbm>>
    %dma_start3A_59 = tpu.memref_squeeze %dma_start3A_58 : memref<1x1x128xf32, #tpu.memory_space<hbm>> -> memref<1x128xf32, #tpu.memory_space<hbm>>
    %dma_start3A_60 = arith.constant 0 : i32
    %dma_start3A_61 = tpu.memref_slice %arg2[%add3A_54, %dma_start3A_60] : memref<1048576x128xf32, #tpu.memory_space<hbm>> -> memref<1x128xf32, #tpu.memory_space<hbm>>
    tpu.enqueue_dma source(%dma_start3A_61 : memref<1x128xf32, #tpu.memory_space<hbm>>) target(%dma_start3A_59 : memref<1x128xf32, #tpu.memory_space<hbm>>) target_semaphore(%arg5 : memref<!tpu.dma_semaphore, #tpu.memory_space<semaphore_mem>>)
    %get3A_62 = arith.constant 13 : i64
    %get3A_63 = arith.index_cast %get3A_62 : i64 to index
    %get3A_64 = memref.load %arg4[%get3A_63] : memref<32xi32, #tpu.memory_space<smem>>
    %mul3A_65 = arith.constant 4096 : i32
    %mul3A_66 = arith.muli %get3A_64, %mul3A_65 : i32
    %get3A_67 = arith.constant 16 : i64
    %get3A_68 = arith.index_cast %get3A_67 : i64 to index
    %get3A_69 = memref.load %arg4[%get3A_68] : memref<32xi32, #tpu.memory_space<smem>>
    %mul3A_70 = arith.constant 64 : i32
    %mul3A_71 = arith.muli %get3A_69, %mul3A_70 : i32
    %add3A_72 = arith.addi %mul3A_66, %mul3A_71 : i32
    %get3A_73 = arith.constant 3 : i64
    %get3A_74 = arith.index_cast %get3A_73 : i64 to index
    %get3A_75 = memref.load %arg4[%get3A_74] : memref<32xi32, #tpu.memory_space<smem>>
    %add3A_76 = arith.addi %add3A_72, %get3A_75 : i32
    %dma_start3A_77 = arith.constant 0 : i32
    %dma_start3A_78 = arith.constant 1 : i32
    %dma_start3A_79 = arith.constant 0 : i32
    %dma_start3A_80 = tpu.memref_slice %arg3[%dma_start3A_77, %dma_start3A_78, %dma_start3A_79] : memref<3x4x128xf32, #tpu.memory_space<hbm>> -> memref<1x1x128xf32, #tpu.memory_space<hbm>>
    %dma_start3A_81 = tpu.memref_squeeze %dma_start3A_80 : memref<1x1x128xf32, #tpu.memory_space<hbm>> -> memref<1x128xf32, #tpu.memory_space<hbm>>
    %dma_start3A_82 = arith.constant 0 : i32
    %dma_start3A_83 = tpu.memref_slice %arg2[%add3A_76, %dma_start3A_82] : memref<1048576x128xf32, #tpu.memory_space<hbm>> -> memref<1x128xf32, #tpu.memory_space<hbm>>
    tpu.enqueue_dma source(%dma_start3A_83 : memref<1x128xf32, #tpu.memory_space<hbm>>) target(%dma_start3A_81 : memref<1x128xf32, #tpu.memory_space<hbm>>) target_semaphore(%arg5 : memref<!tpu.dma_semaphore, #tpu.memory_space<semaphore_mem>>)
    %get3A_84 = arith.constant 13 : i64
    %get3A_85 = arith.index_cast %get3A_84 : i64 to index
    %get3A_86 = memref.load %arg4[%get3A_85] : memref<32xi32, #tpu.memory_space<smem>>
    %mul3A_87 = arith.constant 4096 : i32
    %mul3A_88 = arith.muli %get3A_86, %mul3A_87 : i32
    %get3A_89 = arith.constant 17 : i64
    %get3A_90 = arith.index_cast %get3A_89 : i64 to index
    %get3A_91 = memref.load %arg4[%get3A_90] : memref<32xi32, #tpu.memory_space<smem>>
    %mul3A_92 = arith.constant 64 : i32
    %mul3A_93 = arith.muli %get3A_91, %mul3A_92 : i32
    %add3A_94 = arith.addi %mul3A_88, %mul3A_93 : i32
    %get3A_95 = arith.constant 4 : i64
    %get3A_96 = arith.index_cast %get3A_95 : i64 to index
    %get3A_97 = memref.load %arg4[%get3A_96] : memref<32xi32, #tpu.memory_space<smem>>
    %add3A_98 = arith.addi %add3A_94, %get3A_97 : i32
    %dma_start3A_99 = arith.constant 1 : i32
    %dma_start3A_100 = arith.constant 1 : i32
    %dma_start3A_101 = arith.constant 0 : i32
    %dma_start3A_102 = tpu.memref_slice %arg3[%dma_start3A_99, %dma_start3A_100, %dma_start3A_101] : memref<3x4x128xf32, #tpu.memory_space<hbm>> -> memref<1x1x128xf32, #tpu.memory_space<hbm>>
    %dma_start3A_103 = tpu.memref_squeeze %dma_start3A_102 : memref<1x1x128xf32, #tpu.memory_space<hbm>> -> memref<1x128xf32, #tpu.memory_space<hbm>>
    %dma_start3A_104 = arith.constant 0 : i32
    %dma_start3A_105 = tpu.memref_slice %arg2[%add3A_98, %dma_start3A_104] : memref<1048576x128xf32, #tpu.memory_space<hbm>> -> memref<1x128xf32, #tpu.memory_space<hbm>>
    tpu.enqueue_dma source(%dma_start3A_105 : memref<1x128xf32, #tpu.memory_space<hbm>>) target(%dma_start3A_103 : memref<1x128xf32, #tpu.memory_space<hbm>>) target_semaphore(%arg5 : memref<!tpu.dma_semaphore, #tpu.memory_space<semaphore_mem>>)
    %get3A_106 = arith.constant 13 : i64
    %get3A_107 = arith.index_cast %get3A_106 : i64 to index
    %get3A_108 = memref.load %arg4[%get3A_107] : memref<32xi32, #tpu.memory_space<smem>>
    %mul3A_109 = arith.constant 4096 : i32
    %mul3A_110 = arith.muli %get3A_108, %mul3A_109 : i32
    %get3A_111 = arith.constant 18 : i64
    %get3A_112 = arith.index_cast %get3A_111 : i64 to index
    %get3A_113 = memref.load %arg4[%get3A_112] : memref<32xi32, #tpu.memory_space<smem>>
    %mul3A_114 = arith.constant 64 : i32
    %mul3A_115 = arith.muli %get3A_113, %mul3A_114 : i32
    %add3A_116 = arith.addi %mul3A_110, %mul3A_115 : i32
    %get3A_117 = arith.constant 5 : i64
    %get3A_118 = arith.index_cast %get3A_117 : i64 to index
    %get3A_119 = memref.load %arg4[%get3A_118] : memref<32xi32, #tpu.memory_space<smem>>
    %add3A_120 = arith.addi %add3A_116, %get3A_119 : i32
    %dma_start3A_121 = arith.constant 2 : i32
    %dma_start3A_122 = arith.constant 1 : i32
    %dma_start3A_123 = arith.constant 0 : i32
    %dma_start3A_124 = tpu.memref_slice %arg3[%dma_start3A_121, %dma_start3A_122, %dma_start3A_123] : memref<3x4x128xf32, #tpu.memory_space<hbm>> -> memref<1x1x128xf32, #tpu.memory_space<hbm>>
    %dma_start3A_125 = tpu.memref_squeeze %dma_start3A_124 : memref<1x1x128xf32, #tpu.memory_space<hbm>> -> memref<1x128xf32, #tpu.memory_space<hbm>>
    %dma_start3A_126 = arith.constant 0 : i32
    %dma_start3A_127 = tpu.memref_slice %arg2[%add3A_120, %dma_start3A_126] : memref<1048576x128xf32, #tpu.memory_space<hbm>> -> memref<1x128xf32, #tpu.memory_space<hbm>>
    tpu.enqueue_dma source(%dma_start3A_127 : memref<1x128xf32, #tpu.memory_space<hbm>>) target(%dma_start3A_125 : memref<1x128xf32, #tpu.memory_space<hbm>>) target_semaphore(%arg5 : memref<!tpu.dma_semaphore, #tpu.memory_space<semaphore_mem>>)
    %get3A_128 = arith.constant 14 : i64
    %get3A_129 = arith.index_cast %get3A_128 : i64 to index
    %get3A_130 = memref.load %arg4[%get3A_129] : memref<32xi32, #tpu.memory_space<smem>>
    %mul3A_131 = arith.constant 4096 : i32
    %mul3A_132 = arith.muli %get3A_130, %mul3A_131 : i32
    %get3A_133 = arith.constant 16 : i64
    %get3A_134 = arith.index_cast %get3A_133 : i64 to index
    %get3A_135 = memref.load %arg4[%get3A_134] : memref<32xi32, #tpu.memory_space<smem>>
    %mul3A_136 = arith.constant 64 : i32
    %mul3A_137 = arith.muli %get3A_135, %mul3A_136 : i32
    %add3A_138 = arith.addi %mul3A_132, %mul3A_137 : i32
    %get3A_139 = arith.constant 6 : i64
    %get3A_140 = arith.index_cast %get3A_139 : i64 to index
    %get3A_141 = memref.load %arg4[%get3A_140] : memref<32xi32, #tpu.memory_space<smem>>
    %add3A_142 = arith.addi %add3A_138, %get3A_141 : i32
    %dma_start3A_143 = arith.constant 0 : i32
    %dma_start3A_144 = arith.constant 2 : i32
    %dma_start3A_145 = arith.constant 0 : i32
    %dma_start3A_146 = tpu.memref_slice %arg3[%dma_start3A_143, %dma_start3A_144, %dma_start3A_145] : memref<3x4x128xf32, #tpu.memory_space<hbm>> -> memref<1x1x128xf32, #tpu.memory_space<hbm>>
    %dma_start3A_147 = tpu.memref_squeeze %dma_start3A_146 : memref<1x1x128xf32, #tpu.memory_space<hbm>> -> memref<1x128xf32, #tpu.memory_space<hbm>>
    %dma_start3A_148 = arith.constant 0 : i32
    %dma_start3A_149 = tpu.memref_slice %arg2[%add3A_142, %dma_start3A_148] : memref<1048576x128xf32, #tpu.memory_space<hbm>> -> memref<1x128xf32, #tpu.memory_space<hbm>>
    tpu.enqueue_dma source(%dma_start3A_149 : memref<1x128xf32, #tpu.memory_space<hbm>>) target(%dma_start3A_147 : memref<1x128xf32, #tpu.memory_space<hbm>>) target_semaphore(%arg5 : memref<!tpu.dma_semaphore, #tpu.memory_space<semaphore_mem>>)
    %get3A_150 = arith.constant 14 : i64
    %get3A_151 = arith.index_cast %get3A_150 : i64 to index
    %get3A_152 = memref.load %arg4[%get3A_151] : memref<32xi32, #tpu.memory_space<smem>>
    %mul3A_153 = arith.constant 4096 : i32
    %mul3A_154 = arith.muli %get3A_152, %mul3A_153 : i32
    %get3A_155 = arith.constant 17 : i64
    %get3A_156 = arith.index_cast %get3A_155 : i64 to index
    %get3A_157 = memref.load %arg4[%get3A_156] : memref<32xi32, #tpu.memory_space<smem>>
    %mul3A_158 = arith.constant 64 : i32
    %mul3A_159 = arith.muli %get3A_157, %mul3A_158 : i32
    %add3A_160 = arith.addi %mul3A_154, %mul3A_159 : i32
    %get3A_161 = arith.constant 7 : i64
    %get3A_162 = arith.index_cast %get3A_161 : i64 to index
    %get3A_163 = memref.load %arg4[%get3A_162] : memref<32xi32, #tpu.memory_space<smem>>
    %add3A_164 = arith.addi %add3A_160, %get3A_163 : i32
    %dma_start3A_165 = arith.constant 1 : i32
    %dma_start3A_166 = arith.constant 2 : i32
    %dma_start3A_167 = arith.constant 0 : i32
    %dma_start3A_168 = tpu.memref_slice %arg3[%dma_start3A_165, %dma_start3A_166, %dma_start3A_167] : memref<3x4x128xf32, #tpu.memory_space<hbm>> -> memref<1x1x128xf32, #tpu.memory_space<hbm>>
    %dma_start3A_169 = tpu.memref_squeeze %dma_start3A_168 : memref<1x1x128xf32, #tpu.memory_space<hbm>> -> memref<1x128xf32, #tpu.memory_space<hbm>>
    %dma_start3A_170 = arith.constant 0 : i32
    %dma_start3A_171 = tpu.memref_slice %arg2[%add3A_164, %dma_start3A_170] : memref<1048576x128xf32, #tpu.memory_space<hbm>> -> memref<1x128xf32, #tpu.memory_space<hbm>>
    tpu.enqueue_dma source(%dma_start3A_171 : memref<1x128xf32, #tpu.memory_space<hbm>>) target(%dma_start3A_169 : memref<1x128xf32, #tpu.memory_space<hbm>>) target_semaphore(%arg5 : memref<!tpu.dma_semaphore, #tpu.memory_space<semaphore_mem>>)
    %get3A_172 = arith.constant 14 : i64
    %get3A_173 = arith.index_cast %get3A_172 : i64 to index
    %get3A_174 = memref.load %arg4[%get3A_173] : memref<32xi32, #tpu.memory_space<smem>>
    %mul3A_175 = arith.constant 4096 : i32
    %mul3A_176 = arith.muli %get3A_174, %mul3A_175 : i32
    %get3A_177 = arith.constant 18 : i64
    %get3A_178 = arith.index_cast %get3A_177 : i64 to index
    %get3A_179 = memref.load %arg4[%get3A_178] : memref<32xi32, #tpu.memory_space<smem>>
    %mul3A_180 = arith.constant 64 : i32
    %mul3A_181 = arith.muli %get3A_179, %mul3A_180 : i32
    %add3A_182 = arith.addi %mul3A_176, %mul3A_181 : i32
    %get3A_183 = arith.constant 8 : i64
    %get3A_184 = arith.index_cast %get3A_183 : i64 to index
    %get3A_185 = memref.load %arg4[%get3A_184] : memref<32xi32, #tpu.memory_space<smem>>
    %add3A_186 = arith.addi %add3A_182, %get3A_185 : i32
    %dma_start3A_187 = arith.constant 2 : i32
    %dma_start3A_188 = arith.constant 2 : i32
    %dma_start3A_189 = arith.constant 0 : i32
    %dma_start3A_190 = tpu.memref_slice %arg3[%dma_start3A_187, %dma_start3A_188, %dma_start3A_189] : memref<3x4x128xf32, #tpu.memory_space<hbm>> -> memref<1x1x128xf32, #tpu.memory_space<hbm>>
    %dma_start3A_191 = tpu.memref_squeeze %dma_start3A_190 : memref<1x1x128xf32, #tpu.memory_space<hbm>> -> memref<1x128xf32, #tpu.memory_space<hbm>>
    %dma_start3A_192 = arith.constant 0 : i32
    %dma_start3A_193 = tpu.memref_slice %arg2[%add3A_186, %dma_start3A_192] : memref<1048576x128xf32, #tpu.memory_space<hbm>> -> memref<1x128xf32, #tpu.memory_space<hbm>>
    tpu.enqueue_dma source(%dma_start3A_193 : memref<1x128xf32, #tpu.memory_space<hbm>>) target(%dma_start3A_191 : memref<1x128xf32, #tpu.memory_space<hbm>>) target_semaphore(%arg5 : memref<!tpu.dma_semaphore, #tpu.memory_space<semaphore_mem>>)
    %get3A_194 = arith.constant 15 : i64
    %get3A_195 = arith.index_cast %get3A_194 : i64 to index
    %get3A_196 = memref.load %arg4[%get3A_195] : memref<32xi32, #tpu.memory_space<smem>>
    %mul3A_197 = arith.constant 4096 : i32
    %mul3A_198 = arith.muli %get3A_196, %mul3A_197 : i32
    %get3A_199 = arith.constant 16 : i64
    %get3A_200 = arith.index_cast %get3A_199 : i64 to index
    %get3A_201 = memref.load %arg4[%get3A_200] : memref<32xi32, #tpu.memory_space<smem>>
    %mul3A_202 = arith.constant 64 : i32
    %mul3A_203 = arith.muli %get3A_201, %mul3A_202 : i32
    %add3A_204 = arith.addi %mul3A_198, %mul3A_203 : i32
    %get3A_205 = arith.constant 9 : i64
    %get3A_206 = arith.index_cast %get3A_205 : i64 to index
    %get3A_207 = memref.load %arg4[%get3A_206] : memref<32xi32, #tpu.memory_space<smem>>
    %add3A_208 = arith.addi %add3A_204, %get3A_207 : i32
    %dma_start3A_209 = arith.constant 0 : i32
    %dma_start3A_210 = arith.constant 3 : i32
    %dma_start3A_211 = arith.constant 0 : i32
    %dma_start3A_212 = tpu.memref_slice %arg3[%dma_start3A_209, %dma_start3A_210, %dma_start3A_211] : memref<3x4x128xf32, #tpu.memory_space<hbm>> -> memref<1x1x128xf32, #tpu.memory_space<hbm>>
    %dma_start3A_213 = tpu.memref_squeeze %dma_start3A_212 : memref<1x1x128xf32, #tpu.memory_space<hbm>> -> memref<1x128xf32, #tpu.memory_space<hbm>>
    %dma_start3A_214 = arith.constant 0 : i32
    %dma_start3A_215 = tpu.memref_slice %arg2[%add3A_208, %dma_start3A_214] : memref<1048576x128xf32, #tpu.memory_space<hbm>> -> memref<1x128xf32, #tpu.memory_space<hbm>>
    tpu.enqueue_dma source(%dma_start3A_215 : memref<1x128xf32, #tpu.memory_space<hbm>>) target(%dma_start3A_213 : memref<1x128xf32, #tpu.memory_space<hbm>>) target_semaphore(%arg5 : memref<!tpu.dma_semaphore, #tpu.memory_space<semaphore_mem>>)
    %get3A_216 = arith.constant 15 : i64
    %get3A_217 = arith.index_cast %get3A_216 : i64 to index
    %get3A_218 = memref.load %arg4[%get3A_217] : memref<32xi32, #tpu.memory_space<smem>>
    %mul3A_219 = arith.constant 4096 : i32
    %mul3A_220 = arith.muli %get3A_218, %mul3A_219 : i32
    %get3A_221 = arith.constant 17 : i64
    %get3A_222 = arith.index_cast %get3A_221 : i64 to index
    %get3A_223 = memref.load %arg4[%get3A_222] : memref<32xi32, #tpu.memory_space<smem>>
    %mul3A_224 = arith.constant 64 : i32
    %mul3A_225 = arith.muli %get3A_223, %mul3A_224 : i32
    %add3A_226 = arith.addi %mul3A_220, %mul3A_225 : i32
    %get3A_227 = arith.constant 10 : i64
    %get3A_228 = arith.index_cast %get3A_227 : i64 to index
    %get3A_229 = memref.load %arg4[%get3A_228] : memref<32xi32, #tpu.memory_space<smem>>
    %add3A_230 = arith.addi %add3A_226, %get3A_229 : i32
    %dma_start3A_231 = arith.constant 1 : i32
    %dma_start3A_232 = arith.constant 3 : i32
    %dma_start3A_233 = arith.constant 0 : i32
    %dma_start3A_234 = tpu.memref_slice %arg3[%dma_start3A_231, %dma_start3A_232, %dma_start3A_233] : memref<3x4x128xf32, #tpu.memory_space<hbm>> -> memref<1x1x128xf32, #tpu.memory_space<hbm>>
    %dma_start3A_235 = tpu.memref_squeeze %dma_start3A_234 : memref<1x1x128xf32, #tpu.memory_space<hbm>> -> memref<1x128xf32, #tpu.memory_space<hbm>>
    %dma_start3A_236 = arith.constant 0 : i32
    %dma_start3A_237 = tpu.memref_slice %arg2[%add3A_230, %dma_start3A_236] : memref<1048576x128xf32, #tpu.memory_space<hbm>> -> memref<1x128xf32, #tpu.memory_space<hbm>>
    tpu.enqueue_dma source(%dma_start3A_237 : memref<1x128xf32, #tpu.memory_space<hbm>>) target(%dma_start3A_235 : memref<1x128xf32, #tpu.memory_space<hbm>>) target_semaphore(%arg5 : memref<!tpu.dma_semaphore, #tpu.memory_space<semaphore_mem>>)
    %get3A_238 = arith.constant 15 : i64
    %get3A_239 = arith.index_cast %get3A_238 : i64 to index
    %get3A_240 = memref.load %arg4[%get3A_239] : memref<32xi32, #tpu.memory_space<smem>>
    %mul3A_241 = arith.constant 4096 : i32
    %mul3A_242 = arith.muli %get3A_240, %mul3A_241 : i32
    %get3A_243 = arith.constant 18 : i64
    %get3A_244 = arith.index_cast %get3A_243 : i64 to index
    %get3A_245 = memref.load %arg4[%get3A_244] : memref<32xi32, #tpu.memory_space<smem>>
    %mul3A_246 = arith.constant 64 : i32
    %mul3A_247 = arith.muli %get3A_245, %mul3A_246 : i32
    %add3A_248 = arith.addi %mul3A_242, %mul3A_247 : i32
    %get3A_249 = arith.constant 11 : i64
    %get3A_250 = arith.index_cast %get3A_249 : i64 to index
    %get3A_251 = memref.load %arg4[%get3A_250] : memref<32xi32, #tpu.memory_space<smem>>
    %add3A_252 = arith.addi %add3A_248, %get3A_251 : i32
    %dma_start3A_253 = arith.constant 2 : i32
    %dma_start3A_254 = arith.constant 3 : i32
    %dma_start3A_255 = arith.constant 0 : i32
    %dma_start3A_256 = tpu.memref_slice %arg3[%dma_start3A_253, %dma_start3A_254, %dma_start3A_255] : memref<3x4x128xf32, #tpu.memory_space<hbm>> -> memref<1x1x128xf32, #tpu.memory_space<hbm>>
    %dma_start3A_257 = tpu.memref_squeeze %dma_start3A_256 : memref<1x1x128xf32, #tpu.memory_space<hbm>> -> memref<1x128xf32, #tpu.memory_space<hbm>>
    %dma_start3A_258 = arith.constant 0 : i32
    %dma_start3A_259 = tpu.memref_slice %arg2[%add3A_252, %dma_start3A_258] : memref<1048576x128xf32, #tpu.memory_space<hbm>> -> memref<1x128xf32, #tpu.memory_space<hbm>>
    tpu.enqueue_dma source(%dma_start3A_259 : memref<1x128xf32, #tpu.memory_space<hbm>>) target(%dma_start3A_257 : memref<1x128xf32, #tpu.memory_space<hbm>>) target_semaphore(%arg5 : memref<!tpu.dma_semaphore, #tpu.memory_space<semaphore_mem>>)
    %dma_wait3A = arith.constant 0 : i32
    %dma_wait3A_260 = arith.constant 0 : i32
    %dma_wait3A_261 = arith.constant 0 : i32
    %dma_wait3A_262 = tpu.memref_slice %arg3[%dma_wait3A, %dma_wait3A_260, %dma_wait3A_261] : memref<3x4x128xf32, #tpu.memory_space<hbm>> -> memref<1x1x128xf32, #tpu.memory_space<hbm>>
    %dma_wait3A_263 = tpu.memref_squeeze %dma_wait3A_262 : memref<1x1x128xf32, #tpu.memory_space<hbm>> -> memref<1x128xf32, #tpu.memory_space<hbm>>
    %dma_wait3A_264 = arith.constant 0 : i32
    %dma_wait3A_265 = tpu.memref_slice %arg2[%add3A_11, %dma_wait3A_264] : memref<1048576x128xf32, #tpu.memory_space<hbm>> -> memref<1x128xf32, #tpu.memory_space<hbm>>
    tpu.wait_dma2 semaphore(%arg5 : memref<!tpu.dma_semaphore, #tpu.memory_space<semaphore_mem>>) src(%dma_wait3A_265 : memref<1x128xf32, #tpu.memory_space<hbm>>) dst(%dma_wait3A_263 : memref<1x128xf32, #tpu.memory_space<hbm>>)
    %dma_wait3A_266 = arith.constant 1 : i32
    %dma_wait3A_267 = arith.constant 0 : i32
    %dma_wait3A_268 = arith.constant 0 : i32
    %dma_wait3A_269 = tpu.memref_slice %arg3[%dma_wait3A_266, %dma_wait3A_267, %dma_wait3A_268] : memref<3x4x128xf32, #tpu.memory_space<hbm>> -> memref<1x1x128xf32, #tpu.memory_space<hbm>>
    %dma_wait3A_270 = tpu.memref_squeeze %dma_wait3A_269 : memref<1x1x128xf32, #tpu.memory_space<hbm>> -> memref<1x128xf32, #tpu.memory_space<hbm>>
    %dma_wait3A_271 = arith.constant 0 : i32
    %dma_wait3A_272 = tpu.memref_slice %arg2[%add3A_32, %dma_wait3A_271] : memref<1048576x128xf32, #tpu.memory_space<hbm>> -> memref<1x128xf32, #tpu.memory_space<hbm>>
    tpu.wait_dma2 semaphore(%arg5 : memref<!tpu.dma_semaphore, #tpu.memory_space<semaphore_mem>>) src(%dma_wait3A_272 : memref<1x128xf32, #tpu.memory_space<hbm>>) dst(%dma_wait3A_270 : memref<1x128xf32, #tpu.memory_space<hbm>>)
    %dma_wait3A_273 = arith.constant 2 : i32
    %dma_wait3A_274 = arith.constant 0 : i32
    %dma_wait3A_275 = arith.constant 0 : i32
    %dma_wait3A_276 = tpu.memref_slice %arg3[%dma_wait3A_273, %dma_wait3A_274, %dma_wait3A_275] : memref<3x4x128xf32, #tpu.memory_space<hbm>> -> memref<1x1x128xf32, #tpu.memory_space<hbm>>
    %dma_wait3A_277 = tpu.memref_squeeze %dma_wait3A_276 : memref<1x1x128xf32, #tpu.memory_space<hbm>> -> memref<1x128xf32, #tpu.memory_space<hbm>>
    %dma_wait3A_278 = arith.constant 0 : i32
    %dma_wait3A_279 = tpu.memref_slice %arg2[%add3A_54, %dma_wait3A_278] : memref<1048576x128xf32, #tpu.memory_space<hbm>> -> memref<1x128xf32, #tpu.memory_space<hbm>>
    tpu.wait_dma2 semaphore(%arg5 : memref<!tpu.dma_semaphore, #tpu.memory_space<semaphore_mem>>) src(%dma_wait3A_279 : memref<1x128xf32, #tpu.memory_space<hbm>>) dst(%dma_wait3A_277 : memref<1x128xf32, #tpu.memory_space<hbm>>)
    %dma_wait3A_280 = arith.constant 0 : i32
    %dma_wait3A_281 = arith.constant 1 : i32
    %dma_wait3A_282 = arith.constant 0 : i32
    %dma_wait3A_283 = tpu.memref_slice %arg3[%dma_wait3A_280, %dma_wait3A_281, %dma_wait3A_282] : memref<3x4x128xf32, #tpu.memory_space<hbm>> -> memref<1x1x128xf32, #tpu.memory_space<hbm>>
    %dma_wait3A_284 = tpu.memref_squeeze %dma_wait3A_283 : memref<1x1x128xf32, #tpu.memory_space<hbm>> -> memref<1x128xf32, #tpu.memory_space<hbm>>
    %dma_wait3A_285 = arith.constant 0 : i32
    %dma_wait3A_286 = tpu.memref_slice %arg2[%add3A_76, %dma_wait3A_285] : memref<1048576x128xf32, #tpu.memory_space<hbm>> -> memref<1x128xf32, #tpu.memory_space<hbm>>
    tpu.wait_dma2 semaphore(%arg5 : memref<!tpu.dma_semaphore, #tpu.memory_space<semaphore_mem>>) src(%dma_wait3A_286 : memref<1x128xf32, #tpu.memory_space<hbm>>) dst(%dma_wait3A_284 : memref<1x128xf32, #tpu.memory_space<hbm>>)
    %dma_wait3A_287 = arith.constant 1 : i32
    %dma_wait3A_288 = arith.constant 1 : i32
    %dma_wait3A_289 = arith.constant 0 : i32
    %dma_wait3A_290 = tpu.memref_slice %arg3[%dma_wait3A_287, %dma_wait3A_288, %dma_wait3A_289] : memref<3x4x128xf32, #tpu.memory_space<hbm>> -> memref<1x1x128xf32, #tpu.memory_space<hbm>>
    %dma_wait3A_291 = tpu.memref_squeeze %dma_wait3A_290 : memref<1x1x128xf32, #tpu.memory_space<hbm>> -> memref<1x128xf32, #tpu.memory_space<hbm>>
    %dma_wait3A_292 = arith.constant 0 : i32
    %dma_wait3A_293 = tpu.memref_slice %arg2[%add3A_98, %dma_wait3A_292] : memref<1048576x128xf32, #tpu.memory_space<hbm>> -> memref<1x128xf32, #tpu.memory_space<hbm>>
    tpu.wait_dma2 semaphore(%arg5 : memref<!tpu.dma_semaphore, #tpu.memory_space<semaphore_mem>>) src(%dma_wait3A_293 : memref<1x128xf32, #tpu.memory_space<hbm>>) dst(%dma_wait3A_291 : memref<1x128xf32, #tpu.memory_space<hbm>>)
    %dma_wait3A_294 = arith.constant 2 : i32
    %dma_wait3A_295 = arith.constant 1 : i32
    %dma_wait3A_296 = arith.constant 0 : i32
    %dma_wait3A_297 = tpu.memref_slice %arg3[%dma_wait3A_294, %dma_wait3A_295, %dma_wait3A_296] : memref<3x4x128xf32, #tpu.memory_space<hbm>> -> memref<1x1x128xf32, #tpu.memory_space<hbm>>
    %dma_wait3A_298 = tpu.memref_squeeze %dma_wait3A_297 : memref<1x1x128xf32, #tpu.memory_space<hbm>> -> memref<1x128xf32, #tpu.memory_space<hbm>>
    %dma_wait3A_299 = arith.constant 0 : i32
    %dma_wait3A_300 = tpu.memref_slice %arg2[%add3A_120, %dma_wait3A_299] : memref<1048576x128xf32, #tpu.memory_space<hbm>> -> memref<1x128xf32, #tpu.memory_space<hbm>>
    tpu.wait_dma2 semaphore(%arg5 : memref<!tpu.dma_semaphore, #tpu.memory_space<semaphore_mem>>) src(%dma_wait3A_300 : memref<1x128xf32, #tpu.memory_space<hbm>>) dst(%dma_wait3A_298 : memref<1x128xf32, #tpu.memory_space<hbm>>)
    %dma_wait3A_301 = arith.constant 0 : i32
    %dma_wait3A_302 = arith.constant 2 : i32
    %dma_wait3A_303 = arith.constant 0 : i32
    %dma_wait3A_304 = tpu.memref_slice %arg3[%dma_wait3A_301, %dma_wait3A_302, %dma_wait3A_303] : memref<3x4x128xf32, #tpu.memory_space<hbm>> -> memref<1x1x128xf32, #tpu.memory_space<hbm>>
    %dma_wait3A_305 = tpu.memref_squeeze %dma_wait3A_304 : memref<1x1x128xf32, #tpu.memory_space<hbm>> -> memref<1x128xf32, #tpu.memory_space<hbm>>
    %dma_wait3A_306 = arith.constant 0 : i32
    %dma_wait3A_307 = tpu.memref_slice %arg2[%add3A_142, %dma_wait3A_306] : memref<1048576x128xf32, #tpu.memory_space<hbm>> -> memref<1x128xf32, #tpu.memory_space<hbm>>
    tpu.wait_dma2 semaphore(%arg5 : memref<!tpu.dma_semaphore, #tpu.memory_space<semaphore_mem>>) src(%dma_wait3A_307 : memref<1x128xf32, #tpu.memory_space<hbm>>) dst(%dma_wait3A_305 : memref<1x128xf32, #tpu.memory_space<hbm>>)
    %dma_wait3A_308 = arith.constant 1 : i32
    %dma_wait3A_309 = arith.constant 2 : i32
    %dma_wait3A_310 = arith.constant 0 : i32
    %dma_wait3A_311 = tpu.memref_slice %arg3[%dma_wait3A_308, %dma_wait3A_309, %dma_wait3A_310] : memref<3x4x128xf32, #tpu.memory_space<hbm>> -> memref<1x1x128xf32, #tpu.memory_space<hbm>>
    %dma_wait3A_312 = tpu.memref_squeeze %dma_wait3A_311 : memref<1x1x128xf32, #tpu.memory_space<hbm>> -> memref<1x128xf32, #tpu.memory_space<hbm>>
    %dma_wait3A_313 = arith.constant 0 : i32
    %dma_wait3A_314 = tpu.memref_slice %arg2[%add3A_164, %dma_wait3A_313] : memref<1048576x128xf32, #tpu.memory_space<hbm>> -> memref<1x128xf32, #tpu.memory_space<hbm>>
    tpu.wait_dma2 semaphore(%arg5 : memref<!tpu.dma_semaphore, #tpu.memory_space<semaphore_mem>>) src(%dma_wait3A_314 : memref<1x128xf32, #tpu.memory_space<hbm>>) dst(%dma_wait3A_312 : memref<1x128xf32, #tpu.memory_space<hbm>>)
    %dma_wait3A_315 = arith.constant 2 : i32
    %dma_wait3A_316 = arith.constant 2 : i32
    %dma_wait3A_317 = arith.constant 0 : i32
    %dma_wait3A_318 = tpu.memref_slice %arg3[%dma_wait3A_315, %dma_wait3A_316, %dma_wait3A_317] : memref<3x4x128xf32, #tpu.memory_space<hbm>> -> memref<1x1x128xf32, #tpu.memory_space<hbm>>
    %dma_wait3A_319 = tpu.memref_squeeze %dma_wait3A_318 : memref<1x1x128xf32, #tpu.memory_space<hbm>> -> memref<1x128xf32, #tpu.memory_space<hbm>>
    %dma_wait3A_320 = arith.constant 0 : i32
    %dma_wait3A_321 = tpu.memref_slice %arg2[%add3A_186, %dma_wait3A_320] : memref<1048576x128xf32, #tpu.memory_space<hbm>> -> memref<1x128xf32, #tpu.memory_space<hbm>>
    tpu.wait_dma2 semaphore(%arg5 : memref<!tpu.dma_semaphore, #tpu.memory_space<semaphore_mem>>) src(%dma_wait3A_321 : memref<1x128xf32, #tpu.memory_space<hbm>>) dst(%dma_wait3A_319 : memref<1x128xf32, #tpu.memory_space<hbm>>)
    %dma_wait3A_322 = arith.constant 0 : i32
    %dma_wait3A_323 = arith.constant 3 : i32
    %dma_wait3A_324 = arith.constant 0 : i32
    %dma_wait3A_325 = tpu.memref_slice %arg3[%dma_wait3A_322, %dma_wait3A_323, %dma_wait3A_324] : memref<3x4x128xf32, #tpu.memory_space<hbm>> -> memref<1x1x128xf32, #tpu.memory_space<hbm>>
    %dma_wait3A_326 = tpu.memref_squeeze %dma_wait3A_325 : memref<1x1x128xf32, #tpu.memory_space<hbm>> -> memref<1x128xf32, #tpu.memory_space<hbm>>
    %dma_wait3A_327 = arith.constant 0 : i32
    %dma_wait3A_328 = tpu.memref_slice %arg2[%add3A_208, %dma_wait3A_327] : memref<1048576x128xf32, #tpu.memory_space<hbm>> -> memref<1x128xf32, #tpu.memory_space<hbm>>
    tpu.wait_dma2 semaphore(%arg5 : memref<!tpu.dma_semaphore, #tpu.memory_space<semaphore_mem>>) src(%dma_wait3A_328 : memref<1x128xf32, #tpu.memory_space<hbm>>) dst(%dma_wait3A_326 : memref<1x128xf32, #tpu.memory_space<hbm>>)
    %dma_wait3A_329 = arith.constant 1 : i32
    %dma_wait3A_330 = arith.constant 3 : i32
    %dma_wait3A_331 = arith.constant 0 : i32
    %dma_wait3A_332 = tpu.memref_slice %arg3[%dma_wait3A_329, %dma_wait3A_330, %dma_wait3A_331] : memref<3x4x128xf32, #tpu.memory_space<hbm>> -> memref<1x1x128xf32, #tpu.memory_space<hbm>>
    %dma_wait3A_333 = tpu.memref_squeeze %dma_wait3A_332 : memref<1x1x128xf32, #tpu.memory_space<hbm>> -> memref<1x128xf32, #tpu.memory_space<hbm>>
    %dma_wait3A_334 = arith.constant 0 : i32
    %dma_wait3A_335 = tpu.memref_slice %arg2[%add3A_230, %dma_wait3A_334] : memref<1048576x128xf32, #tpu.memory_space<hbm>> -> memref<1x128xf32, #tpu.memory_space<hbm>>
    tpu.wait_dma2 semaphore(%arg5 : memref<!tpu.dma_semaphore, #tpu.memory_space<semaphore_mem>>) src(%dma_wait3A_335 : memref<1x128xf32, #tpu.memory_space<hbm>>) dst(%dma_wait3A_333 : memref<1x128xf32, #tpu.memory_space<hbm>>)
    %dma_wait3A_336 = arith.constant 2 : i32
    %dma_wait3A_337 = arith.constant 3 : i32
    %dma_wait3A_338 = arith.constant 0 : i32
    %dma_wait3A_339 = tpu.memref_slice %arg3[%dma_wait3A_336, %dma_wait3A_337, %dma_wait3A_338] : memref<3x4x128xf32, #tpu.memory_space<hbm>> -> memref<1x1x128xf32, #tpu.memory_space<hbm>>
    %dma_wait3A_340 = tpu.memref_squeeze %dma_wait3A_339 : memref<1x1x128xf32, #tpu.memory_space<hbm>> -> memref<1x128xf32, #tpu.memory_space<hbm>>
    %dma_wait3A_341 = arith.constant 0 : i32
    %dma_wait3A_342 = tpu.memref_slice %arg2[%add3A_252, %dma_wait3A_341] : memref<1048576x128xf32, #tpu.memory_space<hbm>> -> memref<1x128xf32, #tpu.memory_space<hbm>>
    tpu.wait_dma2 semaphore(%arg5 : memref<!tpu.dma_semaphore, #tpu.memory_space<semaphore_mem>>) src(%dma_wait3A_342 : memref<1x128xf32, #tpu.memory_space<hbm>>) dst(%dma_wait3A_340 : memref<1x128xf32, #tpu.memory_space<hbm>>)
    return
  }
}

</mosaic_0001>

<sc_bundles>
// kernel: kernel.3.cloned.1.call-start
scs
__scs_entry_jumppad:
0x0: {  	(pc) =	sbr.rel $0x88, $3  }
0x1: {  	(tag) =	ssettag $0x0;
	lr =	simm.s32 $0x1  }
0x2: {  	[smem:$0x3F9D] =	sst lr;
	_ =	strace $0xD0000000  }
0x3: {  	_ = 	snop  }
0x4: {  	_ = 	snop  }
0x5: {  	_ = 	snop  }
0x6: {  	_ = 	snop  }
0x7: {  	_ = 	snop  }
__scs_overlays_trampoline_lowered:
0x8: {  	[smem:$0x3FAC] =	sst s0  }
0x9: {  	[smem:$0x3FAD] =	sst s1  }
0xa: {  	[smem:$0x3FAE] =	sst s2  }
0xb: {  	[smem:$0x3FAF] =	sst s3  }
0xc: {  	[smem:$0x3FB0] =	sst s4  }
0xd: {  	[smem:$0x3FB1] =	sst s5  }
0xe: {  	[smem:$0x3FB2] =	sst s6  }
0xf: {  	[smem:$0x3FB3] =	sst s7  }
0x10: {  	[smem:$0x3FB4] =	sst s8  }
0x11: {  	[smem:$0x3FB5] =	sst s9;
	s0 =	simm.s32 @!p0 $0x0  }
0x12: {  	s1 =	sld [smem:$0x3F9B];
	s0 =	simm.s32 @p0 $0x1  }
0x13: {  	[smem:$0x3FB6] =	sst s0;
	s0 =	simm.s32 @!p1 $0x0  }
0x14: {  	s2 =	sld [smem:$0x3F9A];
	s0 =	simm.s32 @p1 $0x1  }
0x15: {  	[smem:$0x3FB7] =	sst s0;
	s0 =	simm.s32 @!p2 $0x0  }
0x16: {  	s3 =	sld [smem:$0x3FDB];
	s0 =	simm.s32 @p2 $0x1  }
0x17: {  	s4 =	simm.s32 $0x1BF5;
	[smem:$0x3FB9] =	sst s0  }
0x18: {  	s0 =	sld [smem:$0x3F9C];
	_ =	swait.ge [sflag:s4], $0x0  }
0x19: {  	s7 =	sld [smem:$0x3F9D]  }
0x1a: {  	s8 =	sadd.s32 $0xFFFFE003, lr  }
0x1b: {  	s9 =	sadd.s32 $0xFFFFFEF7, lr;
	s5 =	simm.s32 $0xFFFFFFFF;
	p2 =	slt.u32 s8, $0xFFFFF086  }
0x1c: {  	p1 =	slt.u32 s9, $0xF7A;
	s5 =	simm.s32 @!p2 $0x0  }
0x1d: {  	s5 =	simm.s32 @p1 $0x1;
	p0 =	seq.s32 s7, s2  }
0x1e: {  	s7 =	smul.u32 @!p0 $0xF7A, s2;
	p2 =	seq.s32 @!p0 s5, $0x0  }
0x1f: {  	s9 =	smul.u32 $0xF7A, s1;
	s8 =	simm.s32 @!p0 $0x1BF5;
	p2 =	por !p2, p0  }
0x20: {  	[sflag:s8] =	ssyncset.s32 @!p0 $0xFFFFF086;
	s6 =	sadd.s32 @!p0 s3, s7;
	s7 =	simm.s32 @!p0 $0x108  }
0x21: {  	s3 =	sadd.s32 s3, s9;
	s6 =	sadd.s32 @!p0 $0x88, s6;
	s7 =	simm.s32 @p2 $0x1082  }
0x22: {  	[simem:s7], [sflag:s8] =	dma.local @!p0 [hbm:s6], $0xF7A  }
0x23: {  	s9 =	sor.u32 $0xD0000000, s2;
	s6 =	simm.s32 $0x108;
	_ =	swait.ge @!p0 [sflag:s8], $0x0  }
0x24: {  	s3 =	sadd.s32 $0x88, s3;
	s6 =	simm.s32 @!p1 $0x1082;
	[sflag:s4] =	ssyncset.s32 $0xFFFFF086  }
0x25: {  	[simem:s6], [sflag:s4] =	dma.local [hbm:s3], $0xF7A  }
0x26: {  	[smem:$0x3F9D] =	sst s1;
	(tag) =	ssettag s2;
	_ =	strace s9  }
0x27: {  	s1 =	sld [smem:$0x3FAD]  }
0x28: {  	s2 =	sld [smem:$0x3FAE]  }
0x29: {  	s4 =	sld [smem:$0x3FB0]  }
0x2a: {  	p0 =	seq.s32 s5, $0x0;
	s5 =	sld [smem:$0x3FB1]  }
0x2b: {  	s6 =	sld [smem:$0x3FB2]  }
0x2c: {  	s7 =	sld [smem:$0x3FB3]  }
0x2d: {  	s3 =	simm.s32 $0x108;
	s8 =	sld [smem:$0x3FB4]  }
0x2e: {  	s3 =	simm.s32 @!p0 $0x1082;
	s9 =	sld [smem:$0x3FB5]  }
0x2f: {  	lr =	sadd.s32 s0, s3;
	s0 =	sld [smem:$0x3FAC]  }
0x30: {  	s3 =	sld [smem:$0x3FAF]  }
0x31: {  	[smem:$0x3FB8] =	sst s10  }
0x32: {  	s10 =	sld [smem:$0x3FB6];
	_ =	sdelay $0x3  }
0x33: {  	p0 =	seq.s32 s10, $0x1;
	s10 =	sld [smem:$0x3FB8];
	_ =	sdelay $0x3  }
0x34: {  	[smem:$0x3FB8] =	sst s10  }
0x35: {  	s10 =	sld [smem:$0x3FB7];
	_ =	sdelay $0x3  }
0x36: {  	p1 =	seq.s32 s10, $0x1;
	s10 =	sld [smem:$0x3FB8];
	_ =	sdelay $0x3  }
0x37: {  	[smem:$0x3FB8] =	sst s10  }
0x38: {  	s10 =	sld [smem:$0x3FB9]  }
0x39: {  	_ = 	snop;
	(pc) =	sbr.ind lr, $3  }
0x3a: {  	_ = 	snop  }
0x3b: {  	_ = 	snop  }
0x3c: {  	p2 =	seq.s32 s10, $0x1;
	s10 =	sld [smem:$0x3FB8]  }
0x3d: {  	_ =	shalt  }
0x3e: {  	_ =	shalt  }
0x3f: {  	_ =	shalt  }
0x40: {  	_ =	shalt  }
0x41: {  	_ =	shalt  }
0x42: {  	_ =	shalt  }
0x43: {  	_ =	shalt  }
0x44: {  	_ =	shalt  }
0x45: {  	_ =	shalt  }
0x46: {  	_ =	shalt  }
0x47: {  	_ =	shalt  }
0x48: {  	_ =	shalt  }
0x49: {  	_ =	shalt  }
0x4a: {  	_ =	shalt  }
0x4b: {  	_ =	shalt  }
0x4c: {  	_ =	shalt  }
0x4d: {  	_ =	shalt  }
0x4e: {  	_ =	shalt  }
0x4f: {  	_ =	shalt  }
0x50: {  	_ =	shalt  }
0x51: {  	_ =	shalt  }
0x52: {  	_ =	shalt  }
0x53: {  	_ =	shalt  }
0x54: {  	_ =	shalt  }
0x55: {  	_ =	shalt  }
0x56: {  	_ =	shalt  }
0x57: {  	_ =	shalt  }
0x58: {  	_ =	shalt  }
0x59: {  	_ =	shalt  }
0x5a: {  	_ =	shalt  }
0x5b: {  	_ =	shalt  }
0x5c: {  	_ =	shalt  }
0x5d: {  	_ =	shalt  }
0x5e: {  	_ =	shalt  }
0x5f: {  	_ =	shalt  }
0x60: {  	_ =	shalt  }
0x61: {  	_ =	shalt  }
0x62: {  	_ =	shalt  }
0x63: {  	_ =	shalt  }
0x64: {  	_ =	shalt  }
0x65: {  	_ =	shalt  }
0x66: {  	_ =	shalt  }
0x67: {  	_ =	shalt  }
0x68: {  	_ =	shalt  }
0x69: {  	_ =	shalt  }
0x6a: {  	_ =	shalt  }
0x6b: {  	_ =	shalt  }
0x6c: {  	_ =	shalt  }
0x6d: {  	_ =	shalt  }
0x6e: {  	_ =	shalt  }
0x6f: {  	_ =	shalt  }
0x70: {  	_ =	shalt  }
0x71: {  	_ =	shalt  }
0x72: {  	_ =	shalt  }
0x73: {  	_ =	shalt  }
0x74: {  	_ =	shalt  }
0x75: {  	_ =	shalt  }
0x76: {  	_ =	shalt  }
0x77: {  	_ =	shalt  }
0x78: {  	_ =	shalt  }
0x79: {  	_ =	shalt  }
0x7a: {  	_ =	shalt  }
0x7b: {  	_ =	shalt  }
0x7c: {  	_ =	shalt  }
0x7d: {  	_ =	shalt  }
0x7e: {  	_ =	shalt  }
0x7f: {  	_ =	shalt  }
0x80: {  	_ =	shalt  }
0x81: {  	_ =	shalt  }
0x82: {  	_ =	shalt  }
0x83: {  	_ =	shalt  }
0x84: {  	_ =	shalt  }
0x85: {  	_ =	shalt  }
0x86: {  	_ =	shalt  }
0x87: {  	_ =	shalt  }
.Lfunc_end0:
.L_simem_size_0:
called_computation_lowered:
.L_overlay_start_0:
0x88: {  	s0 =	sld [smem:$0x3FD9]  }
0x89: {  	s1 =	sld [smem:$0x3FFE];
	_ =	sdelay $0x3  }
0x8a: {  	s0 =	sadd.s32 s1, s0  }
0x8b: {  	s2 =	simm.s32 $0x0;
	[smem:$0x3FC4] =	sst s0  }
0x8c: {  	[smem:$0xF] =	sst s2  }
0x8d: {  	s0 =	sld [smem:$0x3FC9]  }
0x8e: {  	s28 =	sld [smem:$0x3FD0];
	(tm) =	ssettm $0x1  }
0x8f: {  	s29 =	sld [smem:$0x3FFB];
	_ =	sdelay $0x3  }
0x90: {  	_ =	strace s29  }
0x91: {  	s2 =	sld [smem:$0x3FFC];
	_ =	sdelay $0x3  }
0x92: {  	_ =	strace s2  }
0x93: {  	s2 =	sld [smem:$0x3FFD];
	_ =	sdelay $0x3  }
0x94: {  	_ =	strace s2  }
0x95: {  	s30 =	simm.s32 $0x1B8B;
	_ =	strace $0x8FFFFFFF  }
0x96: {  	_ =	swait.ge [sflag:s30], $0x1  }
0x97: {  	[sflag:s30] =	ssyncset.done $0x0  }
0x98: {  	s3 =	simm.s32 $0x1B8E;
	[sflag:s30] =	ssyncadd.s32 $0xFFFFFFFF  }
0x99: {  	s8 =	simm.s32 $0xA;
	[smem:$0x3FD2] =	sst s3  }
0x9a: {  	s4 =	simm.s32 $0x10;
	s31 =	sld [smem:$0x3FFE];
	_ =	strace $0x80000046  }
0x9b: {  	[smem:s4], [sflag:s8] =	dma.local [hbm:s28], $0x4  }
0x9c: {  	_ =	swait.ge [sflag:s8], $0x4  }
0x9d: {  	[sflag:s8] =	ssyncset.done $0x0  }
0x9e: {  	[sflag:s8] =	ssyncadd.s32 $0xFFFFFFFC  }
0x9f: {  	s9 =	sld [smem:$0x1C]  }
0xa0: {  	s3 =	sld [smem:$0x20];
	_ =	sdelay $0x1  }
0xa1: {  	s10 =	sld [smem:$0x10];
	_ =	sdelay $0x1  }
0xa2: {  	s6 =	sshll.u32 s9, $0xC;
	s3 =	sshll.u32 s3, $0x6  }
0xa3: {  	s1 =	sadd.s32 s6, s3  }
0xa4: {  	s1 =	sadd.s32 s10, s1  }
0xa5: {  	s1 =	sshll.u32 s1, $0x4  }
0xa6: {  	s1 =	sand.u32 $0x1FFFFFF0, s1  }
0xa7: {  	s12 =	simm.s32 $0x9;
	s11 =	sadd.s32 $0x400, s31;
	s5 =	sadd.s32 s0, s1  }
0xa8: {  	[hbm:s11], [sflag:s12] =	dma.local [hbm:s5], $0x10  }
0xa9: {  	s4 =	sld [smem:$0x21];
	_ =	sdelay $0x1  }
0xaa: {  	s5 =	sld [smem:$0x11];
	_ =	sdelay $0x1  }
0xab: {  	s4 =	sshll.u32 s4, $0x6  }
0xac: {  	s7 =	sadd.s32 s6, s4  }
0xad: {  	s5 =	sadd.s32 s5, s7  }
0xae: {  	s5 =	sshll.u32 s5, $0x4  }
0xaf: {  	s5 =	sand.u32 $0x1FFFFFF0, s5  }
0xb0: {  	s13 =	sadd.s32 $0x440, s31;
	s5 =	sadd.s32 s0, s5  }
0xb1: {  	[hbm:s13], [sflag:s12] =	dma.local [hbm:s5], $0x10  }
0xb2: {  	s5 =	sld [smem:$0x22];
	_ =	sdelay $0x1  }
0xb3: {  	s7 =	sld [smem:$0x12];
	_ =	sdelay $0x1  }
0xb4: {  	s5 =	sshll.u32 s5, $0x6  }
0xb5: {  	s6 =	sadd.s32 s6, s5  }
0xb6: {  	s6 =	sadd.s32 s7, s6  }
0xb7: {  	s6 =	sshll.u32 s6, $0x4  }
0xb8: {  	s6 =	sand.u32 $0x1FFFFFF0, s6  }
0xb9: {  	s14 =	sadd.s32 $0x480, s31;
	s6 =	sadd.s32 s0, s6  }
0xba: {  	[hbm:s14], [sflag:s12] =	dma.local [hbm:s6], $0x10  }
0xbb: {  	s6 =	sld [smem:$0x1D];
	_ =	sdelay $0x1  }
0xbc: {  	s7 =	sld [smem:$0x13];
	_ =	sdelay $0x1  }
0xbd: {  	s6 =	sshll.u32 s6, $0xC  }
0xbe: {  	s8 =	sadd.s32 s3, s6  }
0xbf: {  	s7 =	sadd.s32 s7, s8  }
0xc0: {  	s7 =	sshll.u32 s7, $0x4  }
0xc1: {  	s7 =	sand.u32 $0x1FFFFFF0, s7  }
0xc2: {  	s15 =	sadd.s32 $0x410, s31;
	s7 =	sadd.s32 s0, s7  }
0xc3: {  	[hbm:s15], [sflag:s12] =	dma.local [hbm:s7], $0x10  }
0xc4: {  	s7 =	sld [smem:$0x14];
	_ =	sdelay $0x2  }
0xc5: {  	s16 =	sadd.s32 s4, s6  }
0xc6: {  	s7 =	sadd.s32 s7, s16  }
0xc7: {  	s7 =	sshll.u32 s7, $0x4  }
0xc8: {  	s7 =	sand.u32 $0x1FFFFFF0, s7  }
0xc9: {  	s17 =	sadd.s32 $0x450, s31;
	s7 =	sadd.s32 s0, s7  }
0xca: {  	[hbm:s17], [sflag:s12] =	dma.local [hbm:s7], $0x10  }
0xcb: {  	s7 =	sld [smem:$0x15];
	_ =	sdelay $0x2  }
0xcc: {  	s6 =	sadd.s32 s5, s6  }
0xcd: {  	s6 =	sadd.s32 s7, s6  }
0xce: {  	s6 =	sshll.u32 s6, $0x4  }
0xcf: {  	s6 =	sand.u32 $0x1FFFFFF0, s6  }
0xd0: {  	s18 =	sadd.s32 $0x490, s31;
	s6 =	sadd.s32 s0, s6  }
0xd1: {  	[hbm:s18], [sflag:s12] =	dma.local [hbm:s6], $0x10  }
0xd2: {  	s6 =	sld [smem:$0x1E];
	_ =	sdelay $0x1  }
0xd3: {  	s7 =	sld [smem:$0x16];
	_ =	sdelay $0x1  }
0xd4: {  	s6 =	sshll.u32 s6, $0xC  }
0xd5: {  	s19 =	sadd.s32 s3, s6  }
0xd6: {  	s7 =	sadd.s32 s7, s19  }
0xd7: {  	s7 =	sshll.u32 s7, $0x4  }
0xd8: {  	s7 =	sand.u32 $0x1FFFFFF0, s7  }
0xd9: {  	s20 =	sadd.s32 $0x420, s31;
	s7 =	sadd.s32 s0, s7  }
0xda: {  	[hbm:s20], [sflag:s12] =	dma.local [hbm:s7], $0x10  }
0xdb: {  	s7 =	sld [smem:$0x17];
	_ =	sdelay $0x2  }
0xdc: {  	s21 =	sadd.s32 s4, s6  }
0xdd: {  	s7 =	sadd.s32 s7, s21  }
0xde: {  	s7 =	sshll.u32 s7, $0x4  }
0xdf: {  	s7 =	sand.u32 $0x1FFFFFF0, s7  }
0xe0: {  	s22 =	sadd.s32 $0x460, s31;
	s7 =	sadd.s32 s0, s7  }
0xe1: {  	[hbm:s22], [sflag:s12] =	dma.local [hbm:s7], $0x10  }
0xe2: {  	s7 =	sld [smem:$0x18];
	_ =	sdelay $0x2  }
0xe3: {  	s6 =	sadd.s32 s5, s6  }
0xe4: {  	s6 =	sadd.s32 s7, s6  }
0xe5: {  	s6 =	sshll.u32 s6, $0x4  }
0xe6: {  	s6 =	sand.u32 $0x1FFFFFF0, s6  }
0xe7: {  	s23 =	sadd.s32 $0x4A0, s31;
	s6 =	sadd.s32 s0, s6  }
0xe8: {  	[hbm:s23], [sflag:s12] =	dma.local [hbm:s6], $0x10  }
0xe9: {  	s6 =	sld [smem:$0x1F];
	_ =	sdelay $0x1  }
0xea: {  	s7 =	sld [smem:$0x19];
	_ =	sdelay $0x1  }
0xeb: {  	s6 =	sshll.u32 s6, $0xC  }
0xec: {  	s3 =	sadd.s32 s3, s6  }
0xed: {  	s3 =	sadd.s32 s7, s3  }
0xee: {  	s3 =	sshll.u32 s3, $0x4  }
0xef: {  	s3 =	sand.u32 $0x1FFFFFF0, s3  }
0xf0: {  	s24 =	sadd.s32 $0x430, s31;
	s3 =	sadd.s32 s0, s3  }
0xf1: {  	[hbm:s24], [sflag:s12] =	dma.local [hbm:s3], $0x10  }
0xf2: {  	s3 =	sld [smem:$0x1A];
	_ =	sdelay $0x2  }
0xf3: {  	s4 =	sadd.s32 s4, s6  }
0xf4: {  	s3 =	sadd.s32 s3, s4  }
0xf5: {  	s3 =	sshll.u32 s3, $0x4  }
0xf6: {  	s3 =	sand.u32 $0x1FFFFFF0, s3  }
0xf7: {  	s25 =	sadd.s32 $0x470, s31;
	s3 =	sadd.s32 s0, s3  }
0xf8: {  	[hbm:s25], [sflag:s12] =	dma.local [hbm:s3], $0x10  }
0xf9: {  	s3 =	sld [smem:$0x1B];
	_ =	sdelay $0x2  }
0xfa: {  	s26 =	sadd.s32 s5, s6  }
0xfb: {  	s3 =	sadd.s32 s3, s26  }
0xfc: {  	s3 =	sshll.u32 s3, $0x4  }
0xfd: {  	s3 =	sand.u32 $0x1FFFFFF0, s3  }
0xfe: {  	s2 =	sadd.s32 $0x4B0, s31;
	s0 =	sadd.s32 s0, s3  }
0xff: {  	[hbm:s2], [sflag:s12] =	dma.local [hbm:s0], $0x10  }
0x100: {  	_ =	swait.ge [sflag:s12], $0x10  }
0x101: {  	[sflag:s12] =	ssyncset.done $0x0  }
0x102: {  	[sflag:s12] =	ssyncadd.s32 $0xFFFFFFF0;
	_ =	sdelay $0x2  }
0x103: {  	_ =	swait.ge [sflag:s12], $0x10  }
0x104: {  	[sflag:s12] =	ssyncset.done $0x0  }
0x105: {  	[sflag:s12] =	ssyncadd.s32 $0xFFFFFFF0;
	_ =	sdelay $0x2  }
0x106: {  	_ =	swait.ge [sflag:s12], $0x10  }
0x107: {  	[sflag:s12] =	ssyncset.done $0x0  }
0x108: {  	[sflag:s12] =	ssyncadd.s32 $0xFFFFFFF0;
	_ =	sdelay $0x2  }
0x109: {  	_ =	swait.ge [sflag:s12], $0x10  }
0x10a: {  	[sflag:s12] =	ssyncset.done $0x0  }
0x10b: {  	[sflag:s12] =	ssyncadd.s32 $0xFFFFFFF0;
	_ =	sdelay $0x2  }
0x10c: {  	_ =	swait.ge [sflag:s12], $0x10  }
0x10d: {  	[sflag:s12] =	ssyncset.done $0x0  }
0x10e: {  	[sflag:s12] =	ssyncadd.s32 $0xFFFFFFF0;
	_ =	sdelay $0x2  }
0x10f: {  	_ =	swait.ge [sflag:s12], $0x10  }
0x110: {  	[sflag:s12] =	ssyncset.done $0x0  }
0x111: {  	[sflag:s12] =	ssyncadd.s32 $0xFFFFFFF0;
	_ =	sdelay $0x2  }
0x112: {  	_ =	swait.ge [sflag:s12], $0x10  }
0x113: {  	[sflag:s12] =	ssyncset.done $0x0  }
0x114: {  	[sflag:s12] =	ssyncadd.s32 $0xFFFFFFF0;
	_ =	sdelay $0x2  }
0x115: {  	_ =	swait.ge [sflag:s12], $0x10  }
0x116: {  	[sflag:s12] =	ssyncset.done $0x0  }
0x117: {  	[sflag:s12] =	ssyncadd.s32 $0xFFFFFFF0;
	_ =	sdelay $0x2  }
0x118: {  	_ =	swait.ge [sflag:s12], $0x10  }
0x119: {  	[sflag:s12] =	ssyncset.done $0x0  }
0x11a: {  	[sflag:s12] =	ssyncadd.s32 $0xFFFFFFF0;
	_ =	sdelay $0x2  }
0x11b: {  	_ =	swait.ge [sflag:s12], $0x10  }
0x11c: {  	[sflag:s12] =	ssyncset.done $0x0  }
0x11d: {  	[sflag:s12] =	ssyncadd.s32 $0xFFFFFFF0;
	_ =	sdelay $0x2  }
0x11e: {  	_ =	swait.ge [sflag:s12], $0x10  }
0x11f: {  	[sflag:s12] =	ssyncset.done $0x0  }
0x120: {  	[sflag:s12] =	ssyncadd.s32 $0xFFFFFFF0;
	_ =	sdelay $0x2  }
0x121: {  	_ =	swait.ge [sflag:s12], $0x10  }
0x122: {  	[sflag:s12] =	ssyncset.done $0x0  }
0x123: {  	[sflag:s12] =	ssyncadd.s32 $0xFFFFFFF0  }
0x124: {  	_ =	strace $0x90000046  }
0x125: {  	_ =	sfence  }
0x126: {  	s28 =	sld [smem:$0x0];
	_ =	sdelay $0x1  }
0x127: {  	s29 =	srdreg.scid  }
0x128: {  	s30 =	sshll.u32 s29, $0xD;
	s31 =	sshrl.u32 s29, $0x2  }
0x129: {  	s1 =	sand.u32 $0x1, s29;
	s2 =	sand.u32 $0x4000, s30;
	s0 =	sadd.s32 s31, s28  }
0x12a: {  	s1 =	sor.u32 s2, s1;
	s0 =	sshll.u32 s0, $0x11  }
0x12b: {  	s0 =	sor.u32 s0, s1  }
0x12c: {  	s0 =	sadd.s32 $0x8F2B, s0;
	(pc) =	sbr.abs _section_cstart, $3  }
0x12d: {  	[sflag:s0] =	ssyncadd.remote.s32 $0x1  }
0x12e: {  	_ =	strace $0x9FFFFFFF  }
0x12f: {  	(tm) =	ssettm $0x7FFFFFFF  }

</sc_bundles>
